<compile_context>
chip_gen: v7x
topology: tpu7x:2x2x1
jax: 0.10.2.dev20260603
libtpu: 0.0.44.dev20260713+nightly
codegen_flags: <defaults>
</compile_context>

<pallas_src>
import functools

import jax
import jax.numpy as jnp
from jax import lax
from jax.experimental import pallas as pl
from jax.experimental.pallas import tpu as pltpu
from jax.experimental.pallas import tpu_sc as plsc

SIZE = 2048
B = 1024
D = 128 * 128

NC, NS = 2, 16
NW = NC * NS
BPW = B // NW

_mesh = plsc.VectorSubcoreMesh(
    core_axis_name="c", subcore_axis_name="s", num_cores=NC, num_subcores=NS)


@functools.partial(
    pl.kernel,
    out_type=(
        jax.ShapeDtypeStruct((B, D), jnp.float32),
        jax.ShapeDtypeStruct((B, D), jnp.float32),
        jax.ShapeDtypeStruct((B, 16), jnp.float32),
    ),
    mesh=_mesh,
    compiler_params=pltpu.CompilerParams(use_tc_tiling_on_sc=False),
    scratch_types=[
        pltpu.VMEM((BPW, 1), jnp.int32),
        pltpu.VMEM((BPW,), jnp.int32),
        pltpu.VMEM((1, D), jnp.float32),
        pltpu.VMEM((1, D), jnp.float32),
        pltpu.VMEM((1, D), jnp.float32),
        pltpu.VMEM((1, D), jnp.float32),
        pltpu.VMEM((BPW, 16), jnp.float32),
        pltpu.SemaphoreType.DMA,
        pltpu.SemaphoreType.DMA,
        pltpu.SemaphoreType.DMA,
        pltpu.SemaphoreType.DMA,
        pltpu.SemaphoreType.DMA,
        pltpu.SemaphoreType.DMA,
        pltpu.SemaphoreType.DMA,
    ],
)
def _gather_kernel(state_hbm, next_hbm, comb_hbm, keys2_hbm, keys_hbm,
                   out_state, out_next, out_comb,
                   idx2, idxf, s0, s1, n0, n1, cbuf,
                   sem, gs, gn, ws0, ws1, wn0, wn1):
    wid = lax.axis_index("s") * NC + lax.axis_index("c")
    base = wid * BPW

    pltpu.sync_copy(keys2_hbm.at[pl.ds(base, BPW)], idx2)
    pltpu.sync_copy(keys_hbm.at[pl.ds(base, BPW)], idxf)

    pltpu.async_copy(comb_hbm.at[idxf], cbuf, sem).wait()
    pltpu.sync_copy(cbuf, out_comb.at[pl.ds(base, BPW)])

    def gather(tab, k, buf, g):
        return pltpu.make_async_copy(tab.at[idx2.at[k]], buf, g)

    def write(out, k, buf, w):
        return pltpu.make_async_copy(buf, out.at[pl.ds(base + k, 1)], w)

    def body(j, carry):
        k = 2 * j

        @pl.when(j >= 1)
        def _():
            write(out_state, k - 2, s0, ws0).wait()
            write(out_next, k - 2, n0, wn0).wait()

        gather(state_hbm, k, s0, gs).start()
        gather(next_hbm, k, n0, gn).start()
        gather(state_hbm, k, s0, gs).wait()
        write(out_state, k, s0, ws0).start()
        gather(next_hbm, k, n0, gn).wait()
        write(out_next, k, n0, wn0).start()

        @pl.when(j >= 1)
        def _():
            write(out_state, k - 1, s1, ws1).wait()
            write(out_next, k - 1, n1, wn1).wait()

        gather(state_hbm, k + 1, s1, gs).start()
        gather(next_hbm, k + 1, n1, gn).start()
        gather(state_hbm, k + 1, s1, gs).wait()
        write(out_state, k + 1, s1, ws1).start()
        gather(next_hbm, k + 1, n1, gn).wait()
        write(out_next, k + 1, n1, wn1).start()
        return carry

    lax.fori_loop(0, BPW // 2, body, 0)
    write(out_state, BPW - 2, s0, ws0).wait()
    write(out_next, BPW - 2, n0, wn0).wait()
    write(out_state, BPW - 1, s1, ws1).wait()
    write(out_next, BPW - 1, n1, wn1).wait()


def kernel(state_buf, action_buf, next_state_buf, reward_buf, done_buf, keys):
    state2 = state_buf.reshape(SIZE, D)
    next2 = next_state_buf.reshape(SIZE, D)
    keys2 = keys.reshape(B, 1)
    comb = jnp.concatenate(
        [action_buf, reward_buf, done_buf,
         jnp.zeros((SIZE, 10), jnp.float32)], axis=1)
    s, n, c = _gather_kernel(state2, next2, comb, keys2, keys)
    return (s.reshape(B, 1, 128, 128), c[:, :4],
            n.reshape(B, 1, 128, 128), c[:, 4:5], c[:, 5:6])

# --- scband reference (transcript-rebuilt; emitter-appended) ---
"""Pipeline reference for scband-tensor-buffer-18863496364642 (READ-ONLY COPY).

The authoritative reference and input builder live on the scoring server;
editing this copy changes nothing except your own understanding.
"""

import jax, jax.numpy as jnp
import numpy as np

SIZE = 2048
B = 1024

# TensorBuffer stores per-slot tensors per BUFFER_TEMPLATE:
#   state: (1,128,128) f32, action: (4,) f32, next_state: (1,128,128) f32,
#   reward: (1,) f32, done: (1,) f32
# The hot op is batch(): sample random keys and gather each buffer at those keys
# (all BATCH_TEMPLATE index offsets are 0).

def setup_inputs(seed: int = 0) -> dict:
    key = jax.random.key(seed)
    ks = jax.random.split(key, 6)
    state_buf = jax.random.normal(ks[0], (SIZE, 1, 128, 128), dtype=jnp.float32)
    action_buf = jax.random.normal(ks[1], (SIZE, 4), dtype=jnp.float32)
    next_state_buf = jax.random.normal(ks[2], (SIZE, 1, 128, 128), dtype=jnp.float32)
    reward_buf = jax.random.normal(ks[3], (SIZE, 1), dtype=jnp.float32)
    done_buf = jax.random.normal(ks[4], (SIZE, 1), dtype=jnp.float32)
    keys = jax.random.randint(ks[5], (B,), 0, SIZE, dtype=jnp.int32)
    return {
        "state_buf": state_buf,
        "action_buf": action_buf,
        "next_state_buf": next_state_buf,
        "reward_buf": reward_buf,
        "done_buf": done_buf,
        "keys": keys,
    }


def reference(state_buf, action_buf, next_state_buf, reward_buf, done_buf, keys):
    # TensorBuffer.batch: keys = np.random.choice(range(len(self)), size)
    # return [self.buffer[name][keys + index] for name, index in template]
    # All template offsets are 0, so this is a pure row-gather on each buffer.
    state = jnp.take(state_buf, keys, axis=0)
    action = jnp.take(action_buf, keys, axis=0)
    next_state = jnp.take(next_state_buf, keys, axis=0)
    reward = jnp.take(reward_buf, keys, axis=0)
    done = jnp.take(done_buf, keys, axis=0)
    return (state, action, next_state, reward, done)

if __name__ == "__main__":
    import jax
    _d = setup_inputs()
    print(jax.jit(kernel)(*tuple(_d.values())))

</pallas_src>

<mosaic_0001>
#map = affine_map<(d0, d1) -> (0, 0)>
#map1 = affine_map<(d0, d1) -> (0)>
module attributes {stable_mosaic.version = 14 : i64} {
  func.func @_gather_kernel(%arg0: i32, %arg1: i32, %arg2: memref<2048x16384xf32, #tpu.memory_space<hbm>>, %arg3: memref<2048x16384xf32, #tpu.memory_space<hbm>>, %arg4: memref<2048x16xf32, #tpu.memory_space<hbm>>, %arg5: memref<1024x1xi32, #tpu.memory_space<hbm>>, %arg6: memref<1024xi32, #tpu.memory_space<hbm>>, %arg7: memref<1024x16384xf32, #tpu.memory_space<hbm>>, %arg8: memref<1024x16384xf32, #tpu.memory_space<hbm>>, %arg9: memref<1024x16xf32, #tpu.memory_space<hbm>>, %arg10: memref<32x1xi32, #tpu.memory_space<vmem>>, %arg11: memref<32xi32, #tpu.memory_space<vmem>>, %arg12: memref<1x16384xf32, #tpu.memory_space<vmem>>, %arg13: memref<1x16384xf32, #tpu.memory_space<vmem>>, %arg14: memref<1x16384xf32, #tpu.memory_space<vmem>>, %arg15: memref<1x16384xf32, #tpu.memory_space<vmem>>, %arg16: memref<32x16xf32, #tpu.memory_space<vmem>>, %arg17: memref<!tpu.dma_semaphore, #tpu.memory_space<semaphore_mem>>, %arg18: memref<!tpu.dma_semaphore, #tpu.memory_space<semaphore_mem>>, %arg19: memref<!tpu.dma_semaphore, #tpu.memory_space<semaphore_mem>>, %arg20: memref<!tpu.dma_semaphore, #tpu.memory_space<semaphore_mem>>, %arg21: memref<!tpu.dma_semaphore, #tpu.memory_space<semaphore_mem>>, %arg22: memref<!tpu.dma_semaphore, #tpu.memory_space<semaphore_mem>>, %arg23: memref<!tpu.dma_semaphore, #tpu.memory_space<semaphore_mem>>) attributes {dimension_semantics = [#tpu.dimension_semantics<core_parallel>, #tpu.dimension_semantics<subcore_parallel>], iteration_bounds = array<i64: 2, 16>, scalar_prefetch = 0 : i64, scratch_operands = 14 : i64, tpu.core_type = #tpu.core_type<sc_vector_subcore>, window_params = [{transform_indices = #map}, {transform_indices = #map}, {transform_indices = #map}, {transform_indices = #map}, {transform_indices = #map1}, {transform_indices = #map}, {transform_indices = #map}, {transform_indices = #map}]} {
    %mul3A = arith.constant 2 : i32
    %mul3A_0 = arith.muli %arg1, %mul3A : i32
    %add3A = arith.addi %mul3A_0, %arg0 : i32
    %mul3A_1 = arith.constant 32 : i32
    %mul3A_2 = arith.muli %add3A, %mul3A_1 : i32
    "tpu.region"() ({
      %run_scoped3A = tpu.sem_alloc : memref<!tpu.dma_semaphore, #tpu.memory_space<semaphore_mem>>
      %dma_start3A_36 = arith.constant 0 : i32
      %dma_start3A_37 = tpu.memref_slice %arg5[%mul3A_2, %dma_start3A_36] : memref<1024x1xi32, #tpu.memory_space<hbm>> -> memref<32x1xi32, #tpu.memory_space<hbm>>
      %dma_start3A_38 = arith.constant 0 : i32
      %dma_start3A_39 = tpu.memref_slice %arg5[%mul3A_2, %dma_start3A_38] : memref<1024x1xi32, #tpu.memory_space<hbm>> -> memref<32x1xi32, #tpu.memory_space<hbm>>
      tpu.enqueue_dma source(%dma_start3A_39 : memref<32x1xi32, #tpu.memory_space<hbm>>) target(%arg10 : memref<32x1xi32, #tpu.memory_space<vmem>>) target_semaphore(%run_scoped3A : memref<!tpu.dma_semaphore, #tpu.memory_space<semaphore_mem>>)
      %dma_wait3A_40 = arith.constant 0 : i32
      %dma_wait3A_41 = tpu.memref_slice %arg5[%mul3A_2, %dma_wait3A_40] : memref<1024x1xi32, #tpu.memory_space<hbm>> -> memref<32x1xi32, #tpu.memory_space<hbm>>
      %dma_wait3A_42 = arith.constant 0 : i32
      %dma_wait3A_43 = tpu.memref_slice %arg5[%mul3A_2, %dma_wait3A_42] : memref<1024x1xi32, #tpu.memory_space<hbm>> -> memref<32x1xi32, #tpu.memory_space<hbm>>
      tpu.wait_dma2 semaphore(%run_scoped3A : memref<!tpu.dma_semaphore, #tpu.memory_space<semaphore_mem>>) src(%dma_wait3A_43 : memref<32x1xi32, #tpu.memory_space<hbm>>) dst(%arg10 : memref<32x1xi32, #tpu.memory_space<vmem>>)
      tpu.yield
    }) : () -> ()
    "tpu.region"() ({
      %run_scoped3A = tpu.sem_alloc : memref<!tpu.dma_semaphore, #tpu.memory_space<semaphore_mem>>
      %dma_start3A_36 = tpu.memref_slice %arg6[%mul3A_2] : memref<1024xi32, #tpu.memory_space<hbm>> -> memref<32xi32, #tpu.memory_space<hbm>>
      %dma_start3A_37 = tpu.memref_slice %arg6[%mul3A_2] : memref<1024xi32, #tpu.memory_space<hbm>> -> memref<32xi32, #tpu.memory_space<hbm>>
      tpu.enqueue_dma source(%dma_start3A_37 : memref<32xi32, #tpu.memory_space<hbm>>) target(%arg11 : memref<32xi32, #tpu.memory_space<vmem>>) target_semaphore(%run_scoped3A : memref<!tpu.dma_semaphore, #tpu.memory_space<semaphore_mem>>)
      %dma_wait3A_38 = tpu.memref_slice %arg6[%mul3A_2] : memref<1024xi32, #tpu.memory_space<hbm>> -> memref<32xi32, #tpu.memory_space<hbm>>
      %dma_wait3A_39 = tpu.memref_slice %arg6[%mul3A_2] : memref<1024xi32, #tpu.memory_space<hbm>> -> memref<32xi32, #tpu.memory_space<hbm>>
      tpu.wait_dma2 semaphore(%run_scoped3A : memref<!tpu.dma_semaphore, #tpu.memory_space<semaphore_mem>>) src(%dma_wait3A_39 : memref<32xi32, #tpu.memory_space<hbm>>) dst(%arg11 : memref<32xi32, #tpu.memory_space<vmem>>)
      tpu.yield
    }) : () -> ()
    %dma_start3A = arith.constant 0 : i32
    %dma_start3A_3 = arith.constant 0 : i32
    %dma_start3A_4 = tpu.memref_slice %arg4[%dma_start3A, %dma_start3A_3] : memref<2048x16xf32, #tpu.memory_space<hbm>> -> memref<2048x16xf32, #tpu.memory_space<hbm>>
    tpu.enqueue_indirect_dma source(%dma_start3A_4 : memref<2048x16xf32, #tpu.memory_space<hbm>>) target(%arg16 : memref<32x16xf32, #tpu.memory_space<vmem>>) offsets(%arg11 : memref<32xi32, #tpu.memory_space<vmem>>) semaphore(%arg17 : memref<!tpu.dma_semaphore, #tpu.memory_space<semaphore_mem>>)
    %dma_wait3A = arith.constant 0 : i32
    %dma_wait3A_5 = arith.constant 0 : i32
    %dma_wait3A_6 = tpu.memref_slice %arg4[%dma_wait3A, %dma_wait3A_5] : memref<2048x16xf32, #tpu.memory_space<hbm>> -> memref<2048x16xf32, #tpu.memory_space<hbm>>
    tpu.wait_indirect_dma semaphore(%arg17 : memref<!tpu.dma_semaphore, #tpu.memory_space<semaphore_mem>>) src(%dma_wait3A_6 : memref<2048x16xf32, #tpu.memory_space<hbm>>) dst(%arg16 : memref<32x16xf32, #tpu.memory_space<vmem>>)
    "tpu.region"() ({
      %run_scoped3A = tpu.sem_alloc : memref<!tpu.dma_semaphore, #tpu.memory_space<semaphore_mem>>
      %dma_start3A_36 = arith.constant 0 : i32
      %dma_start3A_37 = tpu.memref_slice %arg9[%mul3A_2, %dma_start3A_36] : memref<1024x16xf32, #tpu.memory_space<hbm>> -> memref<32x16xf32, #tpu.memory_space<hbm>>
      %dma_start3A_38 = arith.constant 0 : i32
      %dma_start3A_39 = tpu.memref_slice %arg9[%mul3A_2, %dma_start3A_38] : memref<1024x16xf32, #tpu.memory_space<hbm>> -> memref<32x16xf32, #tpu.memory_space<hbm>>
      tpu.enqueue_dma source(%arg16 : memref<32x16xf32, #tpu.memory_space<vmem>>) target(%dma_start3A_39 : memref<32x16xf32, #tpu.memory_space<hbm>>) target_semaphore(%run_scoped3A : memref<!tpu.dma_semaphore, #tpu.memory_space<semaphore_mem>>)
      %dma_wait3A_40 = arith.constant 0 : i32
      %dma_wait3A_41 = tpu.memref_slice %arg9[%mul3A_2, %dma_wait3A_40] : memref<1024x16xf32, #tpu.memory_space<hbm>> -> memref<32x16xf32, #tpu.memory_space<hbm>>
      %dma_wait3A_42 = arith.constant 0 : i32
      %dma_wait3A_43 = tpu.memref_slice %arg9[%mul3A_2, %dma_wait3A_42] : memref<1024x16xf32, #tpu.memory_space<hbm>> -> memref<32x16xf32, #tpu.memory_space<hbm>>
      tpu.wait_dma2 semaphore(%run_scoped3A : memref<!tpu.dma_semaphore, #tpu.memory_space<semaphore_mem>>) src(%arg16 : memref<32x16xf32, #tpu.memory_space<vmem>>) dst(%dma_wait3A_43 : memref<32x16xf32, #tpu.memory_space<hbm>>)
      tpu.yield
    }) : () -> ()
    %scan3A = arith.constant 0 : i32
    %scan3A_7 = arith.constant 0 : i32
    %scan3A_8 = arith.constant 16 : i32
    %scan3A_9 = arith.addi %scan3A_7, %scan3A_8 : i32
    %scan3A_10 = arith.constant 1 : i32
    scf.for %scan3A_36 = %scan3A_7 to %scan3A_9 step %scan3A_10  : i32 {
      %mul3A_37 = arith.constant 2 : i32
      %mul3A_38 = arith.muli %mul3A_37, %scan3A_36 : i32
      %ge3A = arith.constant 1 : i32
      %ge3A_39 = arith.cmpi sge, %scan3A_36, %ge3A : i32
      %convert_element_type3A = arith.extui %ge3A_39 : i1 to i32
      %cond3A = arith.constant 0 : i32
      %cond3A_40 = arith.cmpi ne, %convert_element_type3A, %cond3A : i32
      scf.if %cond3A_40 {
        %sub3A = arith.constant 2 : i32
        %sub3A_126 = arith.subi %mul3A_38, %sub3A : i32
        %add3A_127 = arith.addi %mul3A_2, %sub3A_126 : i32
        %dma_wait3A_128 = arith.constant 0 : i32
        %dma_wait3A_129 = tpu.memref_slice %arg7[%add3A_127, %dma_wait3A_128] : memref<1024x16384xf32, #tpu.memory_space<hbm>> -> memref<1x16384xf32, #tpu.memory_space<hbm>>
        %dma_wait3A_130 = arith.constant 0 : i32
        %dma_wait3A_131 = tpu.memref_slice %arg7[%add3A_127, %dma_wait3A_130] : memref<1024x16384xf32, #tpu.memory_space<hbm>> -> memref<1x16384xf32, #tpu.memory_space<hbm>>
        tpu.wait_dma2 semaphore(%arg20 : memref<!tpu.dma_semaphore, #tpu.memory_space<semaphore_mem>>) src(%arg12 : memref<1x16384xf32, #tpu.memory_space<vmem>>) dst(%dma_wait3A_131 : memref<1x16384xf32, #tpu.memory_space<hbm>>)
        %sub3A_132 = arith.constant 2 : i32
        %sub3A_133 = arith.subi %mul3A_38, %sub3A_132 : i32
        %add3A_134 = arith.addi %mul3A_2, %sub3A_133 : i32
        %dma_wait3A_135 = arith.constant 0 : i32
        %dma_wait3A_136 = tpu.memref_slice %arg8[%add3A_134, %dma_wait3A_135] : memref<1024x16384xf32, #tpu.memory_space<hbm>> -> memref<1x16384xf32, #tpu.memory_space<hbm>>
        %dma_wait3A_137 = arith.constant 0 : i32
        %dma_wait3A_138 = tpu.memref_slice %arg8[%add3A_134, %dma_wait3A_137] : memref<1024x16384xf32, #tpu.memory_space<hbm>> -> memref<1x16384xf32, #tpu.memory_space<hbm>>
        tpu.wait_dma2 semaphore(%arg22 : memref<!tpu.dma_semaphore, #tpu.memory_space<semaphore_mem>>) src(%arg14 : memref<1x16384xf32, #tpu.memory_space<vmem>>) dst(%dma_wait3A_138 : memref<1x16384xf32, #tpu.memory_space<hbm>>)
      } else {
      }
      %dma_start3A_41 = arith.constant 0 : i32
      %dma_start3A_42 = tpu.memref_slice %arg10[%mul3A_38, %dma_start3A_41] : memref<32x1xi32, #tpu.memory_space<vmem>> -> memref<1x1xi32, #tpu.memory_space<vmem>>
      %dma_start3A_43 = tpu.memref_squeeze %dma_start3A_42 : memref<1x1xi32, #tpu.memory_space<vmem>> -> memref<1xi32, #tpu.memory_space<vmem>>
      %dma_start3A_44 = arith.constant 0 : i32
      %dma_start3A_45 = arith.constant 0 : i32
      %dma_start3A_46 = tpu.memref_slice %arg2[%dma_start3A_44, %dma_start3A_45] : memref<2048x16384xf32, #tpu.memory_space<hbm>> -> memref<2048x16384xf32, #tpu.memory_space<hbm>>
      tpu.enqueue_indirect_dma source(%dma_start3A_46 : memref<2048x16384xf32, #tpu.memory_space<hbm>>) target(%arg12 : memref<1x16384xf32, #tpu.memory_space<vmem>>) offsets(%dma_start3A_43 : memref<1xi32, #tpu.memory_space<vmem>>) semaphore(%arg18 : memref<!tpu.dma_semaphore, #tpu.memory_space<semaphore_mem>>)
      %dma_start3A_47 = arith.constant 0 : i32
      %dma_start3A_48 = tpu.memref_slice %arg10[%mul3A_38, %dma_start3A_47] : memref<32x1xi32, #tpu.memory_space<vmem>> -> memref<1x1xi32, #tpu.memory_space<vmem>>
      %dma_start3A_49 = tpu.memref_squeeze %dma_start3A_48 : memref<1x1xi32, #tpu.memory_space<vmem>> -> memref<1xi32, #tpu.memory_space<vmem>>
      %dma_start3A_50 = arith.constant 0 : i32
      %dma_start3A_51 = arith.constant 0 : i32
      %dma_start3A_52 = tpu.memref_slice %arg3[%dma_start3A_50, %dma_start3A_51] : memref<2048x16384xf32, #tpu.memory_space<hbm>> -> memref<2048x16384xf32, #tpu.memory_space<hbm>>
      tpu.enqueue_indirect_dma source(%dma_start3A_52 : memref<2048x16384xf32, #tpu.memory_space<hbm>>) target(%arg14 : memref<1x16384xf32, #tpu.memory_space<vmem>>) offsets(%dma_start3A_49 : memref<1xi32, #tpu.memory_space<vmem>>) semaphore(%arg19 : memref<!tpu.dma_semaphore, #tpu.memory_space<semaphore_mem>>)
      %dma_wait3A_53 = arith.constant 0 : i32
      %dma_wait3A_54 = tpu.memref_slice %arg10[%mul3A_38, %dma_wait3A_53] : memref<32x1xi32, #tpu.memory_space<vmem>> -> memref<1x1xi32, #tpu.memory_space<vmem>>
      %dma_wait3A_55 = tpu.memref_squeeze %dma_wait3A_54 : memref<1x1xi32, #tpu.memory_space<vmem>> -> memref<1xi32, #tpu.memory_space<vmem>>
      %dma_wait3A_56 = arith.constant 0 : i32
      %dma_wait3A_57 = arith.constant 0 : i32
      %dma_wait3A_58 = tpu.memref_slice %arg2[%dma_wait3A_56, %dma_wait3A_57] : memref<2048x16384xf32, #tpu.memory_space<hbm>> -> memref<2048x16384xf32, #tpu.memory_space<hbm>>
      tpu.wait_indirect_dma semaphore(%arg18 : memref<!tpu.dma_semaphore, #tpu.memory_space<semaphore_mem>>) src(%dma_wait3A_58 : memref<2048x16384xf32, #tpu.memory_space<hbm>>) dst(%arg12 : memref<1x16384xf32, #tpu.memory_space<vmem>>)
      %add3A_59 = arith.addi %mul3A_2, %mul3A_38 : i32
      %dma_start3A_60 = arith.constant 0 : i32
      %dma_start3A_61 = tpu.memref_slice %arg7[%add3A_59, %dma_start3A_60] : memref<1024x16384xf32, #tpu.memory_space<hbm>> -> memref<1x16384xf32, #tpu.memory_space<hbm>>
      %dma_start3A_62 = arith.constant 0 : i32
      %dma_start3A_63 = tpu.memref_slice %arg7[%add3A_59, %dma_start3A_62] : memref<1024x16384xf32, #tpu.memory_space<hbm>> -> memref<1x16384xf32, #tpu.memory_space<hbm>>
      tpu.enqueue_dma source(%arg12 : memref<1x16384xf32, #tpu.memory_space<vmem>>) target(%dma_start3A_63 : memref<1x16384xf32, #tpu.memory_space<hbm>>) target_semaphore(%arg20 : memref<!tpu.dma_semaphore, #tpu.memory_space<semaphore_mem>>)
      %dma_wait3A_64 = arith.constant 0 : i32
      %dma_wait3A_65 = tpu.memref_slice %arg10[%mul3A_38, %dma_wait3A_64] : memref<32x1xi32, #tpu.memory_space<vmem>> -> memref<1x1xi32, #tpu.memory_space<vmem>>
      %dma_wait3A_66 = tpu.memref_squeeze %dma_wait3A_65 : memref<1x1xi32, #tpu.memory_space<vmem>> -> memref<1xi32, #tpu.memory_space<vmem>>
      %dma_wait3A_67 = arith.constant 0 : i32
      %dma_wait3A_68 = arith.constant 0 : i32
      %dma_wait3A_69 = tpu.memref_slice %arg3[%dma_wait3A_67, %dma_wait3A_68] : memref<2048x16384xf32, #tpu.memory_space<hbm>> -> memref<2048x16384xf32, #tpu.memory_space<hbm>>
      tpu.wait_indirect_dma semaphore(%arg19 : memref<!tpu.dma_semaphore, #tpu.memory_space<semaphore_mem>>) src(%dma_wait3A_69 : memref<2048x16384xf32, #tpu.memory_space<hbm>>) dst(%arg14 : memref<1x16384xf32, #tpu.memory_space<vmem>>)
      %add3A_70 = arith.addi %mul3A_2, %mul3A_38 : i32
      %dma_start3A_71 = arith.constant 0 : i32
      %dma_start3A_72 = tpu.memref_slice %arg8[%add3A_70, %dma_start3A_71] : memref<1024x16384xf32, #tpu.memory_space<hbm>> -> memref<1x16384xf32, #tpu.memory_space<hbm>>
      %dma_start3A_73 = arith.constant 0 : i32
      %dma_start3A_74 = tpu.memref_slice %arg8[%add3A_70, %dma_start3A_73] : memref<1024x16384xf32, #tpu.memory_space<hbm>> -> memref<1x16384xf32, #tpu.memory_space<hbm>>
      tpu.enqueue_dma source(%arg14 : memref<1x16384xf32, #tpu.memory_space<vmem>>) target(%dma_start3A_74 : memref<1x16384xf32, #tpu.memory_space<hbm>>) target_semaphore(%arg22 : memref<!tpu.dma_semaphore, #tpu.memory_space<semaphore_mem>>)
      %ge3A_75 = arith.constant 1 : i32
      %ge3A_76 = arith.cmpi sge, %scan3A_36, %ge3A_75 : i32
      %convert_element_type3A_77 = arith.extui %ge3A_76 : i1 to i32
      %cond3A_78 = arith.constant 0 : i32
      %cond3A_79 = arith.cmpi ne, %convert_element_type3A_77, %cond3A_78 : i32
      scf.if %cond3A_79 {
        %sub3A = arith.constant 1 : i32
        %sub3A_126 = arith.subi %mul3A_38, %sub3A : i32
        %add3A_127 = arith.addi %mul3A_2, %sub3A_126 : i32
        %dma_wait3A_128 = arith.constant 0 : i32
        %dma_wait3A_129 = tpu.memref_slice %arg7[%add3A_127, %dma_wait3A_128] : memref<1024x16384xf32, #tpu.memory_space<hbm>> -> memref<1x16384xf32, #tpu.memory_space<hbm>>
        %dma_wait3A_130 = arith.constant 0 : i32
        %dma_wait3A_131 = tpu.memref_slice %arg7[%add3A_127, %dma_wait3A_130] : memref<1024x16384xf32, #tpu.memory_space<hbm>> -> memref<1x16384xf32, #tpu.memory_space<hbm>>
        tpu.wait_dma2 semaphore(%arg21 : memref<!tpu.dma_semaphore, #tpu.memory_space<semaphore_mem>>) src(%arg13 : memref<1x16384xf32, #tpu.memory_space<vmem>>) dst(%dma_wait3A_131 : memref<1x16384xf32, #tpu.memory_space<hbm>>)
        %sub3A_132 = arith.constant 1 : i32
        %sub3A_133 = arith.subi %mul3A_38, %sub3A_132 : i32
        %add3A_134 = arith.addi %mul3A_2, %sub3A_133 : i32
        %dma_wait3A_135 = arith.constant 0 : i32
        %dma_wait3A_136 = tpu.memref_slice %arg8[%add3A_134, %dma_wait3A_135] : memref<1024x16384xf32, #tpu.memory_space<hbm>> -> memref<1x16384xf32, #tpu.memory_space<hbm>>
        %dma_wait3A_137 = arith.constant 0 : i32
        %dma_wait3A_138 = tpu.memref_slice %arg8[%add3A_134, %dma_wait3A_137] : memref<1024x16384xf32, #tpu.memory_space<hbm>> -> memref<1x16384xf32, #tpu.memory_space<hbm>>
        tpu.wait_dma2 semaphore(%arg23 : memref<!tpu.dma_semaphore, #tpu.memory_space<semaphore_mem>>) src(%arg15 : memref<1x16384xf32, #tpu.memory_space<vmem>>) dst(%dma_wait3A_138 : memref<1x16384xf32, #tpu.memory_space<hbm>>)
      } else {
      }
      %add3A_80 = arith.constant 1 : i32
      %add3A_81 = arith.addi %mul3A_38, %add3A_80 : i32
      %dma_start3A_82 = arith.constant 0 : i32
      %dma_start3A_83 = tpu.memref_slice %arg10[%add3A_81, %dma_start3A_82] : memref<32x1xi32, #tpu.memory_space<vmem>> -> memref<1x1xi32, #tpu.memory_space<vmem>>
      %dma_start3A_84 = tpu.memref_squeeze %dma_start3A_83 : memref<1x1xi32, #tpu.memory_space<vmem>> -> memref<1xi32, #tpu.memory_space<vmem>>
      %dma_start3A_85 = arith.constant 0 : i32
      %dma_start3A_86 = arith.constant 0 : i32
      %dma_start3A_87 = tpu.memref_slice %arg2[%dma_start3A_85, %dma_start3A_86] : memref<2048x16384xf32, #tpu.memory_space<hbm>> -> memref<2048x16384xf32, #tpu.memory_space<hbm>>
      tpu.enqueue_indirect_dma source(%dma_start3A_87 : memref<2048x16384xf32, #tpu.memory_space<hbm>>) target(%arg13 : memref<1x16384xf32, #tpu.memory_space<vmem>>) offsets(%dma_start3A_84 : memref<1xi32, #tpu.memory_space<vmem>>) semaphore(%arg18 : memref<!tpu.dma_semaphore, #tpu.memory_space<semaphore_mem>>)
      %add3A_88 = arith.constant 1 : i32
      %add3A_89 = arith.addi %mul3A_38, %add3A_88 : i32
      %dma_start3A_90 = arith.constant 0 : i32
      %dma_start3A_91 = tpu.memref_slice %arg10[%add3A_89, %dma_start3A_90] : memref<32x1xi32, #tpu.memory_space<vmem>> -> memref<1x1xi32, #tpu.memory_space<vmem>>
      %dma_start3A_92 = tpu.memref_squeeze %dma_start3A_91 : memref<1x1xi32, #tpu.memory_space<vmem>> -> memref<1xi32, #tpu.memory_space<vmem>>
      %dma_start3A_93 = arith.constant 0 : i32
      %dma_start3A_94 = arith.constant 0 : i32
      %dma_start3A_95 = tpu.memref_slice %arg3[%dma_start3A_93, %dma_start3A_94] : memref<2048x16384xf32, #tpu.memory_space<hbm>> -> memref<2048x16384xf32, #tpu.memory_space<hbm>>
      tpu.enqueue_indirect_dma source(%dma_start3A_95 : memref<2048x16384xf32, #tpu.memory_space<hbm>>) target(%arg15 : memref<1x16384xf32, #tpu.memory_space<vmem>>) offsets(%dma_start3A_92 : memref<1xi32, #tpu.memory_space<vmem>>) semaphore(%arg19 : memref<!tpu.dma_semaphore, #tpu.memory_space<semaphore_mem>>)
      %add3A_96 = arith.constant 1 : i32
      %add3A_97 = arith.addi %mul3A_38, %add3A_96 : i32
      %dma_wait3A_98 = arith.constant 0 : i32
      %dma_wait3A_99 = tpu.memref_slice %arg10[%add3A_97, %dma_wait3A_98] : memref<32x1xi32, #tpu.memory_space<vmem>> -> memref<1x1xi32, #tpu.memory_space<vmem>>
      %dma_wait3A_100 = tpu.memref_squeeze %dma_wait3A_99 : memref<1x1xi32, #tpu.memory_space<vmem>> -> memref<1xi32, #tpu.memory_space<vmem>>
      %dma_wait3A_101 = arith.constant 0 : i32
      %dma_wait3A_102 = arith.constant 0 : i32
      %dma_wait3A_103 = tpu.memref_slice %arg2[%dma_wait3A_101, %dma_wait3A_102] : memref<2048x16384xf32, #tpu.memory_space<hbm>> -> memref<2048x16384xf32, #tpu.memory_space<hbm>>
      tpu.wait_indirect_dma semaphore(%arg18 : memref<!tpu.dma_semaphore, #tpu.memory_space<semaphore_mem>>) src(%dma_wait3A_103 : memref<2048x16384xf32, #tpu.memory_space<hbm>>) dst(%arg13 : memref<1x16384xf32, #tpu.memory_space<vmem>>)
      %add3A_104 = arith.constant 1 : i32
      %add3A_105 = arith.addi %mul3A_38, %add3A_104 : i32
      %add3A_106 = arith.addi %mul3A_2, %add3A_105 : i32
      %dma_start3A_107 = arith.constant 0 : i32
      %dma_start3A_108 = tpu.memref_slice %arg7[%add3A_106, %dma_start3A_107] : memref<1024x16384xf32, #tpu.memory_space<hbm>> -> memref<1x16384xf32, #tpu.memory_space<hbm>>
      %dma_start3A_109 = arith.constant 0 : i32
      %dma_start3A_110 = tpu.memref_slice %arg7[%add3A_106, %dma_start3A_109] : memref<1024x16384xf32, #tpu.memory_space<hbm>> -> memref<1x16384xf32, #tpu.memory_space<hbm>>
      tpu.enqueue_dma source(%arg13 : memref<1x16384xf32, #tpu.memory_space<vmem>>) target(%dma_start3A_110 : memref<1x16384xf32, #tpu.memory_space<hbm>>) target_semaphore(%arg21 : memref<!tpu.dma_semaphore, #tpu.memory_space<semaphore_mem>>)
      %add3A_111 = arith.constant 1 : i32
      %add3A_112 = arith.addi %mul3A_38, %add3A_111 : i32
      %dma_wait3A_113 = arith.constant 0 : i32
      %dma_wait3A_114 = tpu.memref_slice %arg10[%add3A_112, %dma_wait3A_113] : memref<32x1xi32, #tpu.memory_space<vmem>> -> memref<1x1xi32, #tpu.memory_space<vmem>>
      %dma_wait3A_115 = tpu.memref_squeeze %dma_wait3A_114 : memref<1x1xi32, #tpu.memory_space<vmem>> -> memref<1xi32, #tpu.memory_space<vmem>>
      %dma_wait3A_116 = arith.constant 0 : i32
      %dma_wait3A_117 = arith.constant 0 : i32
      %dma_wait3A_118 = tpu.memref_slice %arg3[%dma_wait3A_116, %dma_wait3A_117] : memref<2048x16384xf32, #tpu.memory_space<hbm>> -> memref<2048x16384xf32, #tpu.memory_space<hbm>>
      tpu.wait_indirect_dma semaphore(%arg19 : memref<!tpu.dma_semaphore, #tpu.memory_space<semaphore_mem>>) src(%dma_wait3A_118 : memref<2048x16384xf32, #tpu.memory_space<hbm>>) dst(%arg15 : memref<1x16384xf32, #tpu.memory_space<vmem>>)
      %add3A_119 = arith.constant 1 : i32
      %add3A_120 = arith.addi %mul3A_38, %add3A_119 : i32
      %add3A_121 = arith.addi %mul3A_2, %add3A_120 : i32
      %dma_start3A_122 = arith.constant 0 : i32
      %dma_start3A_123 = tpu.memref_slice %arg8[%add3A_121, %dma_start3A_122] : memref<1024x16384xf32, #tpu.memory_space<hbm>> -> memref<1x16384xf32, #tpu.memory_space<hbm>>
      %dma_start3A_124 = arith.constant 0 : i32
      %dma_start3A_125 = tpu.memref_slice %arg8[%add3A_121, %dma_start3A_124] : memref<1024x16384xf32, #tpu.memory_space<hbm>> -> memref<1x16384xf32, #tpu.memory_space<hbm>>
      tpu.enqueue_dma source(%arg15 : memref<1x16384xf32, #tpu.memory_space<vmem>>) target(%dma_start3A_125 : memref<1x16384xf32, #tpu.memory_space<hbm>>) target_semaphore(%arg23 : memref<!tpu.dma_semaphore, #tpu.memory_space<semaphore_mem>>)
    }
    %scan3A_11 = arith.constant 16 : i32
    %add3A_12 = arith.constant 30 : i32
    %add3A_13 = arith.addi %mul3A_2, %add3A_12 : i32
    %dma_wait3A_14 = arith.constant 0 : i32
    %dma_wait3A_15 = tpu.memref_slice %arg7[%add3A_13, %dma_wait3A_14] : memref<1024x16384xf32, #tpu.memory_space<hbm>> -> memref<1x16384xf32, #tpu.memory_space<hbm>>
    %dma_wait3A_16 = arith.constant 0 : i32
    %dma_wait3A_17 = tpu.memref_slice %arg7[%add3A_13, %dma_wait3A_16] : memref<1024x16384xf32, #tpu.memory_space<hbm>> -> memref<1x16384xf32, #tpu.memory_space<hbm>>
    tpu.wait_dma2 semaphore(%arg20 : memref<!tpu.dma_semaphore, #tpu.memory_space<semaphore_mem>>) src(%arg12 : memref<1x16384xf32, #tpu.memory_space<vmem>>) dst(%dma_wait3A_17 : memref<1x16384xf32, #tpu.memory_space<hbm>>)
    %add3A_18 = arith.constant 30 : i32
    %add3A_19 = arith.addi %mul3A_2, %add3A_18 : i32
    %dma_wait3A_20 = arith.constant 0 : i32
    %dma_wait3A_21 = tpu.memref_slice %arg8[%add3A_19, %dma_wait3A_20] : memref<1024x16384xf32, #tpu.memory_space<hbm>> -> memref<1x16384xf32, #tpu.memory_space<hbm>>
    %dma_wait3A_22 = arith.constant 0 : i32
    %dma_wait3A_23 = tpu.memref_slice %arg8[%add3A_19, %dma_wait3A_22] : memref<1024x16384xf32, #tpu.memory_space<hbm>> -> memref<1x16384xf32, #tpu.memory_space<hbm>>
    tpu.wait_dma2 semaphore(%arg22 : memref<!tpu.dma_semaphore, #tpu.memory_space<semaphore_mem>>) src(%arg14 : memref<1x16384xf32, #tpu.memory_space<vmem>>) dst(%dma_wait3A_23 : memref<1x16384xf32, #tpu.memory_space<hbm>>)
    %add3A_24 = arith.constant 31 : i32
    %add3A_25 = arith.addi %mul3A_2, %add3A_24 : i32
    %dma_wait3A_26 = arith.constant 0 : i32
    %dma_wait3A_27 = tpu.memref_slice %arg7[%add3A_25, %dma_wait3A_26] : memref<1024x16384xf32, #tpu.memory_space<hbm>> -> memref<1x16384xf32, #tpu.memory_space<hbm>>
    %dma_wait3A_28 = arith.constant 0 : i32
    %dma_wait3A_29 = tpu.memref_slice %arg7[%add3A_25, %dma_wait3A_28] : memref<1024x16384xf32, #tpu.memory_space<hbm>> -> memref<1x16384xf32, #tpu.memory_space<hbm>>
    tpu.wait_dma2 semaphore(%arg21 : memref<!tpu.dma_semaphore, #tpu.memory_space<semaphore_mem>>) src(%arg13 : memref<1x16384xf32, #tpu.memory_space<vmem>>) dst(%dma_wait3A_29 : memref<1x16384xf32, #tpu.memory_space<hbm>>)
    %add3A_30 = arith.constant 31 : i32
    %add3A_31 = arith.addi %mul3A_2, %add3A_30 : i32
    %dma_wait3A_32 = arith.constant 0 : i32
    %dma_wait3A_33 = tpu.memref_slice %arg8[%add3A_31, %dma_wait3A_32] : memref<1024x16384xf32, #tpu.memory_space<hbm>> -> memref<1x16384xf32, #tpu.memory_space<hbm>>
    %dma_wait3A_34 = arith.constant 0 : i32
    %dma_wait3A_35 = tpu.memref_slice %arg8[%add3A_31, %dma_wait3A_34] : memref<1024x16384xf32, #tpu.memory_space<hbm>> -> memref<1x16384xf32, #tpu.memory_space<hbm>>
    tpu.wait_dma2 semaphore(%arg23 : memref<!tpu.dma_semaphore, #tpu.memory_space<semaphore_mem>>) src(%arg15 : memref<1x16384xf32, #tpu.memory_space<vmem>>) dst(%dma_wait3A_35 : memref<1x16384xf32, #tpu.memory_space<hbm>>)
    return
  }
}

</mosaic_0001>

<sc_bundles>
// kernel: kernel.3.cloned.1.call-start
scs
__scs_entry_jumppad:
0x0: {  	(pc) =	sbr.rel $0x88, $3  }
0x1: {  	(tag) =	ssettag $0x0;
	lr =	simm.s32 $0x1  }
0x2: {  	[smem:$0x3F9B] =	sst lr;
	_ =	strace $0xD0000000  }
0x3: {  	_ = 	snop  }
0x4: {  	_ = 	snop  }
0x5: {  	_ = 	snop  }
0x6: {  	_ = 	snop  }
0x7: {  	_ = 	snop  }
__scs_overlays_trampoline_lowered:
0x8: {  	[smem:$0x3FAA] =	sst s0  }
0x9: {  	[smem:$0x3FAB] =	sst s1  }
0xa: {  	[smem:$0x3FAC] =	sst s2  }
0xb: {  	[smem:$0x3FAD] =	sst s3  }
0xc: {  	[smem:$0x3FAE] =	sst s4  }
0xd: {  	[smem:$0x3FAF] =	sst s5  }
0xe: {  	[smem:$0x3FB0] =	sst s6  }
0xf: {  	[smem:$0x3FB1] =	sst s7  }
0x10: {  	[smem:$0x3FB2] =	sst s8  }
0x11: {  	[smem:$0x3FB3] =	sst s9;
	s0 =	simm.s32 @!p0 $0x0  }
0x12: {  	s1 =	sld [smem:$0x3F99];
	s0 =	simm.s32 @p0 $0x1  }
0x13: {  	[smem:$0x3FB4] =	sst s0;
	s0 =	simm.s32 @!p1 $0x0  }
0x14: {  	s2 =	sld [smem:$0x3F98];
	s0 =	simm.s32 @p1 $0x1  }
0x15: {  	[smem:$0x3FB5] =	sst s0;
	s0 =	simm.s32 @!p2 $0x0  }
0x16: {  	s3 =	sld [smem:$0x3FDB];
	s0 =	simm.s32 @p2 $0x1  }
0x17: {  	s4 =	simm.s32 $0x1BF5;
	[smem:$0x3FB7] =	sst s0  }
0x18: {  	s0 =	sld [smem:$0x3F9A];
	_ =	swait.ge [sflag:s4], $0x0  }
0x19: {  	s7 =	sld [smem:$0x3F9B]  }
0x1a: {  	s8 =	sadd.s32 $0xFFFFE003, lr  }
0x1b: {  	s9 =	sadd.s32 $0xFFFFFEF7, lr;
	s5 =	simm.s32 $0xFFFFFFFF;
	p2 =	slt.u32 s8, $0xFFFFF086  }
0x1c: {  	p1 =	slt.u32 s9, $0xF7A;
	s5 =	simm.s32 @!p2 $0x0  }
0x1d: {  	s5 =	simm.s32 @p1 $0x1;
	p0 =	seq.s32 s7, s2  }
0x1e: {  	s7 =	smul.u32 @!p0 $0xF7A, s2;
	p2 =	seq.s32 @!p0 s5, $0x0  }
0x1f: {  	s9 =	smul.u32 $0xF7A, s1;
	s8 =	simm.s32 @!p0 $0x1BF5;
	p2 =	por !p2, p0  }
0x20: {  	[sflag:s8] =	ssyncset.s32 @!p0 $0xFFFFF086;
	s6 =	sadd.s32 @!p0 s3, s7;
	s7 =	simm.s32 @!p0 $0x108  }
0x21: {  	s3 =	sadd.s32 s3, s9;
	s6 =	sadd.s32 @!p0 $0x88, s6;
	s7 =	simm.s32 @p2 $0x1082  }
0x22: {  	[simem:s7], [sflag:s8] =	dma.local @!p0 [hbm:s6], $0xF7A  }
0x23: {  	s9 =	sor.u32 $0xD0000000, s2;
	s6 =	simm.s32 $0x108;
	_ =	swait.ge @!p0 [sflag:s8], $0x0  }
0x24: {  	s3 =	sadd.s32 $0x88, s3;
	s6 =	simm.s32 @!p1 $0x1082;
	[sflag:s4] =	ssyncset.s32 $0xFFFFF086  }
0x25: {  	[simem:s6], [sflag:s4] =	dma.local [hbm:s3], $0xF7A  }
0x26: {  	[smem:$0x3F9B] =	sst s1;
	(tag) =	ssettag s2;
	_ =	strace s9  }
0x27: {  	s1 =	sld [smem:$0x3FAB]  }
0x28: {  	s2 =	sld [smem:$0x3FAC]  }
0x29: {  	s4 =	sld [smem:$0x3FAE]  }
0x2a: {  	p0 =	seq.s32 s5, $0x0;
	s5 =	sld [smem:$0x3FAF]  }
0x2b: {  	s6 =	sld [smem:$0x3FB0]  }
0x2c: {  	s7 =	sld [smem:$0x3FB1]  }
0x2d: {  	s3 =	simm.s32 $0x108;
	s8 =	sld [smem:$0x3FB2]  }
0x2e: {  	s3 =	simm.s32 @!p0 $0x1082;
	s9 =	sld [smem:$0x3FB3]  }
0x2f: {  	lr =	sadd.s32 s0, s3;
	s0 =	sld [smem:$0x3FAA]  }
0x30: {  	s3 =	sld [smem:$0x3FAD]  }
0x31: {  	[smem:$0x3FB6] =	sst s10  }
0x32: {  	s10 =	sld [smem:$0x3FB4];
	_ =	sdelay $0x3  }
0x33: {  	p0 =	seq.s32 s10, $0x1;
	s10 =	sld [smem:$0x3FB6];
	_ =	sdelay $0x3  }
0x34: {  	[smem:$0x3FB6] =	sst s10  }
0x35: {  	s10 =	sld [smem:$0x3FB5];
	_ =	sdelay $0x3  }
0x36: {  	p1 =	seq.s32 s10, $0x1;
	s10 =	sld [smem:$0x3FB6];
	_ =	sdelay $0x3  }
0x37: {  	[smem:$0x3FB6] =	sst s10  }
0x38: {  	s10 =	sld [smem:$0x3FB7]  }
0x39: {  	_ = 	snop;
	(pc) =	sbr.ind lr, $3  }
0x3a: {  	_ = 	snop  }
0x3b: {  	_ = 	snop  }
0x3c: {  	p2 =	seq.s32 s10, $0x1;
	s10 =	sld [smem:$0x3FB6]  }
0x3d: {  	_ =	shalt  }
0x3e: {  	_ =	shalt  }
0x3f: {  	_ =	shalt  }
0x40: {  	_ =	shalt  }
0x41: {  	_ =	shalt  }
0x42: {  	_ =	shalt  }
0x43: {  	_ =	shalt  }
0x44: {  	_ =	shalt  }
0x45: {  	_ =	shalt  }
0x46: {  	_ =	shalt  }
0x47: {  	_ =	shalt  }
0x48: {  	_ =	shalt  }
0x49: {  	_ =	shalt  }
0x4a: {  	_ =	shalt  }
0x4b: {  	_ =	shalt  }
0x4c: {  	_ =	shalt  }
0x4d: {  	_ =	shalt  }
0x4e: {  	_ =	shalt  }
0x4f: {  	_ =	shalt  }
0x50: {  	_ =	shalt  }
0x51: {  	_ =	shalt  }
0x52: {  	_ =	shalt  }
0x53: {  	_ =	shalt  }
0x54: {  	_ =	shalt  }
0x55: {  	_ =	shalt  }
0x56: {  	_ =	shalt  }
0x57: {  	_ =	shalt  }
0x58: {  	_ =	shalt  }
0x59: {  	_ =	shalt  }
0x5a: {  	_ =	shalt  }
0x5b: {  	_ =	shalt  }
0x5c: {  	_ =	shalt  }
0x5d: {  	_ =	shalt  }
0x5e: {  	_ =	shalt  }
0x5f: {  	_ =	shalt  }
0x60: {  	_ =	shalt  }
0x61: {  	_ =	shalt  }
0x62: {  	_ =	shalt  }
0x63: {  	_ =	shalt  }
0x64: {  	_ =	shalt  }
0x65: {  	_ =	shalt  }
0x66: {  	_ =	shalt  }
0x67: {  	_ =	shalt  }
0x68: {  	_ =	shalt  }
0x69: {  	_ =	shalt  }
0x6a: {  	_ =	shalt  }
0x6b: {  	_ =	shalt  }
0x6c: {  	_ =	shalt  }
0x6d: {  	_ =	shalt  }
0x6e: {  	_ =	shalt  }
0x6f: {  	_ =	shalt  }
0x70: {  	_ =	shalt  }
0x71: {  	_ =	shalt  }
0x72: {  	_ =	shalt  }
0x73: {  	_ =	shalt  }
0x74: {  	_ =	shalt  }
0x75: {  	_ =	shalt  }
0x76: {  	_ =	shalt  }
0x77: {  	_ =	shalt  }
0x78: {  	_ =	shalt  }
0x79: {  	_ =	shalt  }
0x7a: {  	_ =	shalt  }
0x7b: {  	_ =	shalt  }
0x7c: {  	_ =	shalt  }
0x7d: {  	_ =	shalt  }
0x7e: {  	_ =	shalt  }
0x7f: {  	_ =	shalt  }
0x80: {  	_ =	shalt  }
0x81: {  	_ =	shalt  }
0x82: {  	_ =	shalt  }
0x83: {  	_ =	shalt  }
0x84: {  	_ =	shalt  }
0x85: {  	_ =	shalt  }
0x86: {  	_ =	shalt  }
0x87: {  	_ =	shalt  }
.Lfunc_end0:
.L_simem_size_0:
called_computation_lowered:
.L_overlay_start_0:
0x88: {  	s2 =	sld [smem:$0x3FD9]  }
0x89: {  	s3 =	sld [smem:$0x3FFE];
	_ =	sdelay $0x1  }
0x8a: {  	s1 =	srdreg.scid  }
0x8b: {  	s0 =	sand.u32 $0x1, s1  }
0x8c: {  	s14 =	sshll.u32 s0, $0xA;
	s2 =	sadd.s32 s3, s2  }
0x8d: {  	s2 =	sadd.s32 s2, s14  }
0x8e: {  	[smem:$0x3FC2] =	sst s2  }
0x8f: {  	_ = 	snop  }
0x90: {  	s2 =	sld [smem:$0x3FD0]  }
0x91: {  	s15 =	sld [smem:$0x3FC9]  }
0x92: {  	s4 =	sld [smem:$0x3FC7]  }
0x93: {  	s6 =	simm.s32 $0xA;
	s7 =	simm.s32 $0x10;
	s5 =	sld [smem:$0x3FC4]  }
0x94: {  	[smem:s7], [sflag:s6] =	dma.local [hbm:s2], $0x1  }
0x95: {  	_ =	swait.eq [sflag:s6], $0x1  }
0x96: {  	[sflag:s6] =	ssyncset.done $0x0  }
0x97: {  	s16 =	sld [smem:$0x10];
	[sflag:s6] =	ssyncadd.s32 $0xFFFFFFFF  }
0x98: {  	s17 =	sld [smem:$0x12];
	(tm) =	ssettm $0x1  }
0x99: {  	s18 =	sld [smem:$0x3FFB];
	_ =	sdelay $0x3  }
0x9a: {  	_ =	strace s18  }
0x9b: {  	s7 =	sld [smem:$0x3FFC];
	_ =	sdelay $0x3  }
0x9c: {  	_ =	strace s7  }
0x9d: {  	s7 =	sld [smem:$0x3FFD];
	_ =	sdelay $0x3  }
0x9e: {  	_ =	strace s7  }
0x9f: {  	_ =	strace $0x8FFFFFFF  }
0xa0: {  	s19 =	sld [smem:$0x3FDB];
	_ =	sdelay $0x1  }
0xa1: {  	s8 =	simm.s32 $_scs_section_size  }
0xa2: {  	s9 =	simm.s32 $_size__tile_overlayer_lowered;
	s10 =	simm.s32 $_tile_overlayer_lowered  }
0xa3: {  	s22 =	simm.s32 $0x1BFF;
	s21 =	sshll.u32 s10, $0x1;
	s7 =	sadd.s32 s8, s19  }
0xa4: {  	s11 =	simm.s32 $0x0;
	s20 =	sshll.u32 s9, $0x1;
	s9 =	sadd.s32 s21, s7  }
0xa5: {  	[timem:s11], [sflag:s22] =	dma.local [hbm:s9], s20  }
0xa6: {  	_ =	swait.ge [sflag:s22], s20  }
0xa7: {  	s8 =	ssub.s32 $0x0, s20;
	[sflag:s22] =	ssyncset.done $0x0  }
0xa8: {  	[sflag:s22] =	ssyncadd.s32 s8;
	_ =	sdelay $0x1  }
0xa9: {  	s23 =	simm.s32 $0x1B8B  }
0xaa: {  	_ =	swait.ge [sflag:s23], $0x1  }
0xab: {  	[sflag:s23] =	ssyncset.done $0x0  }
0xac: {  	s25 =	simm.s32 $0x1B8E;
	s24 =	sld [smem:$0x3FFE];
	[sflag:s23] =	ssyncadd.s32 $0xFFFFFFFF  }
0xad: {  	s26 =	simm.s32 $execute0_lowered;
	[smem:$0x3FD2] =	sst s25  }
0xae: {  	s9 =	sshll.u32 s26, $0x1;
	_ =	strace $0x80000046;
	[dreg:$0x1] =	wrdreg $0xFFFFFFFF  }
0xaf: {  	s28 =	simm.s32 $_size_execute0_lowered;
	s7 =	sadd.s32 s7, s9;
	[dreg:$0x0] =	wrdreg $0x0  }
0xb0: {  	s9 =	sshll.u32 s28, $0x1;
	[dreg:$0x2] =	wrdreg s7  }
0xb1: {  	[dreg:$0x3] =	wrdreg s9  }
0xb2: {  	[dreg:$0x4] =	wrdreg $0xC0  }
0xb3: {  	_ =	task [dreg:s11], $0x5FFFF  }
0xb4: {  	[dreg:$0x1] =	wrdreg $0xFFFFFFFF  }
0xb5: {  	[dreg:$0x0] =	wrdreg $0x60  }
0xb6: {  	[dreg:$0x2] =	wrdreg s15  }
0xb7: {  	[dreg:$0x3] =	wrdreg s4  }
0xb8: {  	[dreg:$0x4] =	wrdreg s24  }
0xb9: {  	[dreg:$0x5] =	wrdreg s5  }
0xba: {  	[dreg:$0x6] =	wrdreg s16  }
0xbb: {  	[dreg:$0x7] =	wrdreg s17  }
0xbc: {  	[dreg:$0x8] =	wrdreg $0x9  }
0xbd: {  	_ =	task.clear_ibuf [dreg:s11], $0x9FFFF;
	_ =	strace $0x90000046  }
0xbe: {  	s29 =	simm.s32 $0x9;
	_ =	strace $0x80000048  }
0xbf: {  	_ =	swait.ge [sflag:s29], $0x1  }
0xc0: {  	[sflag:s29] =	ssyncadd.s32 $0xFFFFFFFF  }
0xc1: {  	_ =	strace $0x90000048  }
0xc2: {  	_ =	sfence  }
0xc3: {  	s30 =	sld [smem:$0x0];
	_ =	sdelay $0x2  }
0xc4: {  	s31 =	sshll.u32 s1, $0xD;
	s1 =	sshrl.u32 s1, $0x2  }
0xc5: {  	s3 =	sand.u32 $0x4000, s31;
	s1 =	sadd.s32 s1, s30  }
0xc6: {  	s0 =	sor.u32 s3, s0;
	s1 =	sshll.u32 s1, $0x11  }
0xc7: {  	s0 =	sor.u32 s1, s0  }
0xc8: {  	s0 =	sadd.s32 $0x8F2B, s0  }
0xc9: {  	[sflag:s0] =	ssyncadd.remote.s32 $0x1  }
0xca: {  	_ =	sfence.sel $0xFFFF  }
0xcb: {  	[dreg:$0x0] =	wrdreg $0xFFFFFFFF;
	(pc) =	sbr.abs _section_cstart, $3  }
0xcc: {  	[dreg:$0x1] =	wrdreg $0xFFFFFFFF  }
0xcd: {  	_ =	task.clear_ibuf [dreg:s11], $0x2FFFF;
	_ =	strace $0x9FFFFFFF  }
0xce: {  	(tm) =	ssettm $0x7FFFFFFF  }
0xcf: {  	_ =	shalt  }
tec
execute0_lowered:
.L_overlay_start_1:
0x0: {  	(tag) =	ssettag $0x1  }
0x1: {  	s1 =	rddreg [dreg:$0x0]  }
0x2: {  	s2 =	rddreg [dreg:$0x1]  }
0x3: {  	s0 =	rddreg [dreg:$0x2]  }
0x4: {  	s3 =	rddreg [dreg:$0x3]  }
0x5: {  	s5 =	rddreg [dreg:$0x4]  }
0x6: {  	s14 =	rddreg [dreg:$0x5]  }
0x7: {  	s6 =	srdreg.scid;
	s4 =	simm.s32 $0x0;
	s16 =	stileid.u32  }
0x8: {  	s17 =	simm.s32 $0x100;
	s19 =	simm.s32 $0x10120;
	s20 =	simm.s32 $0x1  }
0x9: {  	s28 =	simm.s32 $0x4;
	s29 =	simm.s32 $0x6;
	s30 =	simm.s32 $0x5  }
0xa: {  	s31 =	simm.s32 $0x7;
	s15 =	sand.u32 $0x1, s6;
	[smem:$0x7FF] =	sst s4  }
0xb: {  	s21 =	sshll.u32 s16, $0x6;
	s8 =	sadd.s32 $0xA00, s0;
	s25 =	sshll.u32 s16, $0x11  }
0xc: {  	s16 =	simm.s32 $0x8;
	s7 =	sshll.u32 s15, $0x5;
	_ =	strace $0x80000047  }
0xd: {  	[dreg:$0x7] =	wrdreg s8;
	s22 =	ssub.s32 $0x2, s15;
	s26 =	sadd.s32 s25, s14  }
0xe: {  	s15 =	sshll.u32 s15, $0x10;
	s10 =	sor.u32 s7, s21;
	s23 =	sshrl.u32 s22, $0x1  }
0xf: {  	s21 =	simm.s32 $0x120;
	s6 =	sadd.s32 s10, s0;
	s7 =	sshll.u32 s10, $0x1  }
0x10: {  	s9 =	sshrl.u32 s10, $0x3;
	s11 =	ssub.s32 s22, s23;
	s24 =	sshll.u32 s10, $0xB  }
0x11: {  	s22 =	simm.s32 $0x8120;
	s23 =	simm.s32 $0x2;
	s0 =	sadd.s32 s7, s0  }
0x12: {  	s6 =	sadd.s32 $0x1A00, s6;
	s3 =	sadd.s32 s3, s9;
	s9 =	smax.u32 s11, $0x1  }
0x13: {  	s10 =	sadd.s32 s5, s24;
	s11 =	sadd.s32 s14, s24;
	[dreg:$0x8] =	wrdreg s6  }
0x14: {  	[dreg:$0x9] =	wrdreg s3;
	s8 =	sadd.s32 $0x1E00, s0;
	s0 =	sor.u32 $0x800, s24  }
0x15: {  	s24 =	simm.s32 $0x3;
	s12 =	sadd.s32 s5, s0;
	s13 =	sadd.s32 s14, s0  }
0x16: {  	s0 =	sadd.s32 s25, s5;
	s14 =	sadd.s32 s15, s26;
	s25 =	simm.s32 $0x4120  }
0x17: {  	s26 =	simm.s32 $0xC120;
	s15 =	sadd.s32 s15, s0;
	s0 =	simm.s32 $0x0  }
.LBB2_1:
0x18: {  	s3 =	rddreg [dreg:$0x8]  }
0x19: {  	[tilespmem:s4], [sflag:$0x8] =	stream.linear.gather [hbm4b:s3+s4], $0x100, $0x38;
	[tilespmem:$0x10320] =	vst v63  }
0x1a: {  	_ =	swait.ge [sflag:s16], $0x100  }
0x1b: {  	[sflag:s16] =	ssyncset.done $0x0  }
0x1c: {  	s5 =	rddreg [dreg:$0x9];
	[sflag:s16] =	ssyncadd.s32 $0xFFFFFF00  }
0x1d: {  	[tilespmem:s17], [sflag:$0x8] =	stream.linear.gather [hbm4b:s5+s4], $0x20, $0x38;
	[tilespmem:$0x10320] =	vst v63  }
0x1e: {  	_ =	swait.ge [sflag:s16], $0x20  }
0x1f: {  	[sflag:s16] =	ssyncset.done $0x0  }
0x20: {  	s5 =	simm.s32 $0x20;
	s6 =	rddreg [dreg:$0x7];
	[sflag:s16] =	ssyncadd.s32 $0xFFFFFFE0  }
0x21: {  	[tilespmem:s19], [sflag:$0x1] =	stream.indirect.gather [hbm4b:s6+s5], $0x10, s17, s5, $0xb8;
	[tilespmem:$0x10320] =	vst v63  }
0x22: {  	_ =	swait.ge [sflag:s20], $0x200  }
0x23: {  	[sflag:s20] =	ssyncset.done $0x0  }
0x24: {  	[sflag:s20] =	ssyncadd.s32 $0xFFFFFE00  }
0x25: {  	[hbm4b:s8+s4] =	stream.linear.scatter [tilespmem:s19], [sflag:$0x8], $0x200, $0x38;
	[tilespmem:$0x10320] =	vst v63  }
0x26: {  	_ =	swait.ge [sflag:s16], $0x200  }
0x27: {  	[sflag:s16] =	ssyncset.done $0x0  }
0x28: {  	[sflag:s16] =	ssyncadd.s32 $0xFFFFFE00  }
0x29: {  	[tilespmem:s21], [sflag:$0x2] =	stream.indirect.gather [hbm4b:s1+s20], $0x4000, s4, s20, $0xb8;
	[tilespmem:$0x10320] =	vst v63  }
0x2a: {  	_ = 	snop  }
0x2b: {  	[tilespmem:s22], [sflag:$0x3] =	stream.indirect.gather [hbm4b:s2+s20], $0x4000, s4, s20, $0xb8;
	[tilespmem:$0x10320] =	vst v63  }
0x2c: {  	_ =	swait.ge [sflag:s23], $0x4000  }
0x2d: {  	[sflag:s23] =	ssyncset.done $0x0  }
0x2e: {  	[sflag:s23] =	ssyncadd.s32 $0xFFFFC000  }
0x2f: {  	[hbm4b:s10+s4] =	stream.linear.scatter [tilespmem:s21], [sflag:$0x4], $0x4000, $0x38;
	[tilespmem:$0x10320] =	vst v63  }
0x30: {  	_ =	swait.ge [sflag:s24], $0x4000  }
0x31: {  	[sflag:s24] =	ssyncset.done $0x0  }
0x32: {  	[sflag:s24] =	ssyncadd.s32 $0xFFFFC000  }
0x33: {  	[hbm4b:s11+s4] =	stream.linear.scatter [tilespmem:s22], [sflag:$0x6], $0x4000, $0x38;
	[tilespmem:$0x10320] =	vst v63  }
0x34: {  	_ = 	snop  }
0x35: {  	[tilespmem:s25], [sflag:$0x2] =	stream.indirect.gather [hbm4b:s1+s20], $0x4000, s16, s20, $0xb8;
	[tilespmem:$0x10320] =	vst v63  }
0x36: {  	_ = 	snop  }
0x37: {  	[tilespmem:s26], [sflag:$0x3] =	stream.indirect.gather [hbm4b:s2+s20], $0x4000, s16, s20, $0xb8;
	[tilespmem:$0x10320] =	vst v63  }
0x38: {  	_ =	swait.ge [sflag:s23], $0x4000  }
0x39: {  	[sflag:s23] =	ssyncset.done $0x0  }
0x3a: {  	[sflag:s23] =	ssyncadd.s32 $0xFFFFC000  }
0x3b: {  	[hbm4b:s12+s4] =	stream.linear.scatter [tilespmem:s25], [sflag:$0x5], $0x4000, $0x38;
	[tilespmem:$0x10320] =	vst v63  }
0x3c: {  	_ =	swait.ge [sflag:s24], $0x4000  }
0x3d: {  	[sflag:s24] =	ssyncset.done $0x0  }
0x3e: {  	[sflag:s24] =	ssyncadd.s32 $0xFFFFC000  }
0x3f: {  	[hbm4b:s13+s4] =	stream.linear.scatter [tilespmem:s26], [sflag:$0x7], $0x4000, $0x38;
	[tilespmem:$0x10320] =	vst v63  }
0x40: {  	_ =	swait.ge [sflag:s28], $0x4000  }
0x41: {  	[sflag:s28] =	ssyncset.done $0x0  }
0x42: {  	[sflag:s28] =	ssyncadd.s32 $0xFFFFC000  }
0x43: {  	_ =	swait.ge [sflag:s29], $0x4000  }
0x44: {  	[sflag:s29] =	ssyncset.done $0x0  }
0x45: {  	s7 =	simm.s32 $0x10;
	[sflag:s29] =	ssyncadd.s32 $0xFFFFC000  }
0x46: {  	[tilespmem:s21], [sflag:$0x2] =	stream.indirect.gather [hbm4b:s1+s20], $0x4000, s7, s20, $0xb8;
	[tilespmem:$0x10320] =	vst v63  }
0x47: {  	_ = 	snop  }
0x48: {  	[tilespmem:s22], [sflag:$0x3] =	stream.indirect.gather [hbm4b:s2+s20], $0x4000, s7, s20, $0xb8;
	[tilespmem:$0x10320] =	vst v63  }
0x49: {  	_ =	swait.ge [sflag:s23], $0x4000  }
0x4a: {  	s3 =	sadd.s32 $0x0, s15;
	[sflag:s23] =	ssyncset.done $0x0  }
0x4b: {  	s18 =	sadd.s32 $0x1000, s3;
	[sflag:s23] =	ssyncadd.s32 $0xFFFFC000  }
0x4c: {  	[hbm4b:s18+s4] =	stream.linear.scatter [tilespmem:s21], [sflag:$0x4], $0x4000, $0x38;
	[tilespmem:$0x10320] =	vst v63  }
0x4d: {  	_ =	swait.ge [sflag:s24], $0x4000  }
0x4e: {  	s6 =	sadd.s32 $0x0, s14;
	[sflag:s24] =	ssyncset.done $0x0  }
0x4f: {  	s18 =	sadd.s32 $0x1000, s6;
	[sflag:s24] =	ssyncadd.s32 $0xFFFFC000  }
0x50: {  	[hbm4b:s18+s4] =	stream.linear.scatter [tilespmem:s22], [sflag:$0x6], $0x4000, $0x38;
	[tilespmem:$0x10320] =	vst v63  }
0x51: {  	_ =	swait.ge [sflag:s30], $0x4000  }
0x52: {  	[sflag:s30] =	ssyncset.done $0x0  }
0x53: {  	[sflag:s30] =	ssyncadd.s32 $0xFFFFC000  }
0x54: {  	_ =	swait.ge [sflag:s31], $0x4000  }
0x55: {  	[sflag:s31] =	ssyncset.done $0x0  }
0x56: {  	s7 =	simm.s32 $0x18;
	[sflag:s31] =	ssyncadd.s32 $0xFFFFC000  }
0x57: {  	[tilespmem:s25], [sflag:$0x2] =	stream.indirect.gather [hbm4b:s1+s20], $0x4000, s7, s20, $0xb8;
	[tilespmem:$0x10320] =	vst v63  }
0x58: {  	_ = 	snop  }
0x59: {  	[tilespmem:s26], [sflag:$0x3] =	stream.indirect.gather [hbm4b:s2+s20], $0x4000, s7, s20, $0xb8;
	[tilespmem:$0x10320] =	vst v63  }
0x5a: {  	_ =	swait.ge [sflag:s23], $0x4000  }
0x5b: {  	[sflag:s23] =	ssyncset.done $0x0  }
0x5c: {  	s3 =	sadd.s32 $0x1800, s3;
	[sflag:s23] =	ssyncadd.s32 $0xFFFFC000  }
0x5d: {  	[hbm4b:s3+s4] =	stream.linear.scatter [tilespmem:s25], [sflag:$0x5], $0x4000, $0x38;
	[tilespmem:$0x10320] =	vst v63  }
0x5e: {  	_ =	swait.ge [sflag:s24], $0x4000  }
0x5f: {  	s5 =	sadd.s32 $0x1800, s6;
	[sflag:s24] =	ssyncset.done $0x0  }
0x60: {  	s18 =	simm.s32 $0x20;
	s3 =	simm.s32 $0x1000;
	[sflag:s24] =	ssyncadd.s32 $0xFFFFC000  }
.LBB2_2:
0x61: {  	[hbm4b:s5+s4] =	stream.linear.scatter [tilespmem:s26], [sflag:$0x7], $0x4000, $0x38;
	[tilespmem:$0x10320] =	vst v63  }
0x62: {  	s5 =	smov.u32 s3  }
0x63: {  	p0 =	sne.s32 s3, $0xE000;
	s3 =	sadd.s32 $0x1000, s3;
	_ =	swait.ge [sflag:s28], $0x4000  }
0x64: {  	[sflag:s28] =	ssyncset.done $0x0  }
0x65: {  	[sflag:s28] =	ssyncadd.s32 $0xFFFFC000  }
0x66: {  	_ =	swait.ge [sflag:s29], $0x4000  }
0x67: {  	[sflag:s29] =	ssyncset.done $0x0  }
0x68: {  	[sflag:s29] =	ssyncadd.s32 $0xFFFFC000  }
0x69: {  	[tilespmem:s21], [sflag:$0x2] =	stream.indirect.gather [hbm4b:s1+s20], $0x4000, s18, s20, $0xb8;
	[tilespmem:$0x10320] =	vst v63  }
0x6a: {  	_ = 	snop  }
0x6b: {  	[tilespmem:s22], [sflag:$0x3] =	stream.indirect.gather [hbm4b:s2+s20], $0x4000, s18, s20, $0xb8;
	[tilespmem:$0x10320] =	vst v63  }
0x6c: {  	_ =	swait.ge [sflag:s23], $0x4000  }
0x6d: {  	s6 =	sadd.s32 s5, s15;
	[sflag:s23] =	ssyncset.done $0x0  }
0x6e: {  	s7 =	sadd.s32 $0x1000, s6;
	[sflag:s23] =	ssyncadd.s32 $0xFFFFC000  }
0x6f: {  	[hbm4b:s7+s4] =	stream.linear.scatter [tilespmem:s21], [sflag:$0x4], $0x4000, $0x38;
	[tilespmem:$0x10320] =	vst v63  }
0x70: {  	_ =	swait.ge [sflag:s24], $0x4000  }
0x71: {  	s5 =	sadd.s32 s5, s14;
	[sflag:s24] =	ssyncset.done $0x0  }
0x72: {  	s7 =	sadd.s32 $0x1000, s5;
	[sflag:s24] =	ssyncadd.s32 $0xFFFFC000  }
0x73: {  	[hbm4b:s7+s4] =	stream.linear.scatter [tilespmem:s22], [sflag:$0x6], $0x4000, $0x38;
	[tilespmem:$0x10320] =	vst v63  }
0x74: {  	_ =	swait.ge [sflag:s30], $0x4000  }
0x75: {  	[sflag:s30] =	ssyncset.done $0x0  }
0x76: {  	[sflag:s30] =	ssyncadd.s32 $0xFFFFC000  }
0x77: {  	_ =	swait.ge [sflag:s31], $0x4000  }
0x78: {  	[sflag:s31] =	ssyncset.done $0x0  }
0x79: {  	s7 =	sadd.s32 $0x8, s18;
	[sflag:s31] =	ssyncadd.s32 $0xFFFFC000  }
0x7a: {  	[tilespmem:s25], [sflag:$0x2] =	stream.indirect.gather [hbm4b:s1+s20], $0x4000, s7, s20, $0xb8;
	[tilespmem:$0x10320] =	vst v63  }
0x7b: {  	_ = 	snop  }
0x7c: {  	[tilespmem:s26], [sflag:$0x3] =	stream.indirect.gather [hbm4b:s2+s20], $0x4000, s7, s20, $0xb8;
	[tilespmem:$0x10320] =	vst v63  }
0x7d: {  	_ =	swait.ge [sflag:s23], $0x4000  }
0x7e: {  	[sflag:s23] =	ssyncset.done $0x0  }
.Ltmp0:
0x7f: {  	s6 =	sadd.s32 $0x1800, s6;
	[sflag:s23] =	ssyncadd.s32 $0xFFFFC000;
	(pc) =	sbr.rel @p0 .LBB2_2-.Ltmp0, $4  }
0x80: {  	[hbm4b:s6+s4] =	stream.linear.scatter [tilespmem:s25], [sflag:$0x5], $0x4000, $0x38;
	[tilespmem:$0x10320] =	vst v63  }
0x81: {  	_ =	swait.ge [sflag:s24], $0x4000  }
0x82: {  	[sflag:s24] =	ssyncset.done $0x0  }
0x83: {  	s5 =	sadd.s32 $0x1800, s5;
	s18 =	sadd.s32 $0x10, s18;
	[sflag:s24] =	ssyncadd.s32 $0xFFFFC000  }
0x84: {  	[hbm4b:s5+s4] =	stream.linear.scatter [tilespmem:s26], [sflag:$0x7], $0x4000, $0x38;
	[tilespmem:$0x10320] =	vst v63  }
0x85: {  	_ =	swait.ge [sflag:s28], $0x4000  }
0x86: {  	[sflag:s28] =	ssyncset.done $0x0  }
0x87: {  	[sflag:s28] =	ssyncadd.s32 $0xFFFFC000  }
0x88: {  	_ =	swait.ge [sflag:s29], $0x4000  }
0x89: {  	[sflag:s29] =	ssyncset.done $0x0  }
0x8a: {  	s0 =	sadd.s32 $0x1, s0;
	[sflag:s29] =	ssyncadd.s32 $0xFFFFC000  }
0x8b: {  	p0 =	sne.s32 s0, s9;
	_ =	swait.ge [sflag:s30], $0x4000  }
.Ltmp1:
0x8c: {  	[sflag:s30] =	ssyncset.done $0x0;
	(pc) =	sbr.rel @p0 .LBB2_1-.Ltmp1, $4  }
0x8d: {  	[sflag:s30] =	ssyncadd.s32 $0xFFFFC000  }
0x8e: {  	_ =	swait.ge [sflag:s31], $0x4000  }
0x8f: {  	[sflag:s31] =	ssyncset.done $0x0  }
0x90: {  	[sflag:s31] =	ssyncadd.s32 $0xFFFFC000  }
0x91: {  	_ =	sfence.sel $0x180000  }
0x92: {  	[bflag:$0x0] =	sbarrier.arrive $0xFFFF  }
0x93: {  	_ =	strace $0x90000047  }
0x94: {  	s0 =	stileid.u32;
	[bflag:$0x2] =	sbarrier.arrive $0xFFFF  }
0x95: {  	p0 =	sne.s32 s0, $0x0;
	s0 =	rddreg [dreg:$0x6]  }
0x96: {  	s0 =	sadd.s32 @!p0 $0x100000, s0  }
0x97: {  	[sflag:s0] =	ssyncadd.tile.s32 @!p0 $0x1;
	_ =	shalt  }
.Lfunc_end2:
_tile_overlayer_lowered:
.L_overlay_start_2:
0x98: {  	(tag) =	ssettag $0x2  }
0x99: {  	s0 =	rddreg [dreg:$0x0];
	s2 =	stileid.u32  }
0x9a: {  	s1 =	rddreg [dreg:$0x1];
	p0 =	sne.s32 s2, $0x0  }
0x9b: {  	s3 =	rddreg [dreg:$0x2];
	[bflag:$0x3] =	sbarrier.arrive $0xFFFF;
	s2 =	simm.s32 @!p0 $0x1C08  }
0x9c: {  	[timem:s3], [sflag:s2] =	dma.local @!p0 [hbm:s0], s1  }
0x9d: {  	s0 =	simm.s32 @!p0 $0x8  }
0x9e: {  	_ =	swait.ge @!p0 [sflag:s0], s1  }
0x9f: {  	s1 =	ssub.s32 @!p0 $0x0, s1;
	[sflag:s0] =	ssyncset.done @!p0 $0x0  }
0xa0: {  	[sflag:s0] =	ssyncadd.s32 @!p0 s1  }
0xa1: {  	[bflag:$0x3] =	sbarrier.arrive $0xFFFF  }
0xa2: {  	_ =	shalt  }

</sc_bundles>
